<compile_context>
chip_gen: v7x
topology: tpu7x:2x2x1
jax: 0.10.2.dev20260603
libtpu: 0.0.44.dev20260713+nightly
codegen_flags: <defaults>
</compile_context>

<pallas_src>
import jax
import jax.numpy as jnp
from jax import lax
from jax.experimental import pallas as pl
from jax.experimental.pallas import tpu as pltpu
from jax.experimental.pallas import tpu_sc as plsc

B = 8
N = 16384
C = 3
NPTS = 1024
BIG = 1e10
L = 16
NSH = 4
SHARD = N // NSH
NSL = SHARD // L


def _sc_body(x_hbm, out_hbm,
             xv0, xv1, xv2, dv, ov0, ov1, ov2,
             accv, acci, qv, rdv, rdi, shv, shi):
    c = lax.axis_index("c")
    s = lax.axis_index("s")
    bloc = s // NSH
    shard = s % NSH
    bglob = c * (B // 2) + bloc

    pltpu.sync_copy(x_hbm.at[pl.ds((0 * B + bglob) * N, N)], xv0)
    pltpu.sync_copy(x_hbm.at[pl.ds((1 * B + bglob) * N, N)], xv1)
    pltpu.sync_copy(x_hbm.at[pl.ds((2 * B + bglob) * N, N)], xv2)

    iota = lax.broadcasted_iota(jnp.int32, (L,), 0)
    lane0 = iota == 0
    big = jnp.full((L,), BIG, dtype=jnp.float32)

    def init_d(j, carry):
        dv[pl.ds(j * L, L)] = big
        return carry
    lax.fori_loop(0, NSL, init_d, 0)

    av0 = dv[pl.ds(0, L)]
    m0 = lax.reduce_max(av0, (0,))
    n0 = lax.reduce_min(jnp.where(av0 == m0, iota, N), (0,))
    zero_idx = jnp.full((L,), n0, dtype=jnp.int32)
    for ch, (r, o) in enumerate(((xv0, ov0), (xv1, ov1), (xv2, ov2))):
        q = plsc.load_gather(r, [zero_idx])
        qv[pl.ds(ch * L, L)] = q
        plsc.store_scatter(o, [zero_idx], q, mask=lane0)

    base = shard * SHARD

    def step(i, carry):
        qx = qv[pl.ds(0, L)]
        qy = qv[pl.ds(L, L)]
        qz = qv[pl.ds(2 * L, L)]
        accv[...] = jnp.full((L,), -1.0, jnp.float32)
        acci[...] = jnp.zeros((L,), jnp.int32)

        def scan(j, c2):
            off = j * L
            xs = xv0[pl.ds(base + off, L)]
            ys = xv1[pl.ds(base + off, L)]
            zs = xv2[pl.ds(base + off, L)]
            dx = xs - qx
            dy = ys - qy
            dz = zs - qz
            d = dx * dx + dy * dy + dz * dz
            dn = jnp.minimum(dv[pl.ds(off, L)], d)
            dv[pl.ds(off, L)] = dn
            gi = iota + (base + off)
            av = accv[...]
            ai = acci[...]
            t = dn > av
            accv[...] = jnp.where(t, dn, av)
            acci[...] = jnp.where(t, gi, ai)
            return c2

        lax.fori_loop(0, NSL, scan, 0)
        par = i % 2
        slot = par * (16 * L) + s * L
        pltpu.sync_copy(accv, shv.at[pl.ds(slot, L)])
        pltpu.sync_copy(acci, shi.at[pl.ds(slot, L)])
        plsc.subcore_barrier()
        rdbase = par * (16 * L) + bloc * (NSH * L)
        pltpu.sync_copy(shv.at[pl.ds(rdbase, NSH * L)], rdv)
        pltpu.sync_copy(shi.at[pl.ds(rdbase, NSH * L)], rdi)
        mv = rdv[pl.ds(0, L)]
        mi = rdi[pl.ds(0, L)]
        for k in range(1, NSH):
            bv = rdv[pl.ds(k * L, L)]
            bi = rdi[pl.ds(k * L, L)]
            tb = (bv > mv) | ((bv == mv) & (bi < mi))
            mv = jnp.where(tb, bv, mv)
            mi = jnp.where(tb, bi, mi)
        m = lax.reduce_max(mv, (0,))
        nxt = lax.reduce_min(jnp.where(mv == m, mi, N), (0,))
        idxv = jnp.full((L,), nxt, dtype=jnp.int32)
        posv = jnp.full((L,), i + 1, dtype=jnp.int32)
        for ch, (r, o) in enumerate(((xv0, ov0), (xv1, ov1), (xv2, ov2))):
            q = plsc.load_gather(r, [idxv])
            qv[pl.ds(ch * L, L)] = q
            plsc.store_scatter(o, [posv], q, mask=lane0)
        return carry

    lax.fori_loop(0, NPTS - 1, step, 0)

    @pl.when(shard == 0)
    def _():
        pltpu.sync_copy(ov0, out_hbm.at[pl.ds((bglob * C + 0) * NPTS, NPTS)])
        pltpu.sync_copy(ov1, out_hbm.at[pl.ds((bglob * C + 1) * NPTS, NPTS)])
        pltpu.sync_copy(ov2, out_hbm.at[pl.ds((bglob * C + 2) * NPTS, NPTS)])


def kernel(x):
    xt = jnp.transpose(x, (1, 0, 2)).reshape(C * B * N)
    mesh = plsc.VectorSubcoreMesh(
        core_axis_name="c", subcore_axis_name="s", num_cores=2,
        num_subcores=16,
    )
    f = pl.kernel(
        _sc_body,
        out_type=jax.ShapeDtypeStruct((B * C * NPTS,), jnp.float32),
        mesh=mesh,
        compiler_params=pltpu.CompilerParams(needs_layout_passes=False),
        scratch_types=[
            pltpu.VMEM((N,), jnp.float32),
            pltpu.VMEM((N,), jnp.float32),
            pltpu.VMEM((N,), jnp.float32),
            pltpu.VMEM((SHARD,), jnp.float32),
            pltpu.VMEM((NPTS,), jnp.float32),
            pltpu.VMEM((NPTS,), jnp.float32),
            pltpu.VMEM((NPTS,), jnp.float32),
            pltpu.VMEM((L,), jnp.float32),
            pltpu.VMEM((L,), jnp.int32),
            pltpu.VMEM((3 * L,), jnp.float32),
            pltpu.VMEM((NSH * L,), jnp.float32),
            pltpu.VMEM((NSH * L,), jnp.int32),
            pltpu.VMEM_SHARED((2 * 16 * L,), jnp.float32),
            pltpu.VMEM_SHARED((2 * 16 * L,), jnp.int32),
        ],
    )
    return f(xt).reshape(B, C, NPTS)

# --- scband reference (transcript-rebuilt; emitter-appended) ---
"""Pipeline reference for scband-furthest-points-sample-56521769615777 (READ-ONLY COPY).

The authoritative reference and input builder live on the scoring server;
editing this copy changes nothing except your own understanding.
"""

import jax, jax.numpy as jnp
import numpy as np

NPOINTS = 1024


def setup_inputs(seed: int = 0) -> dict:
    key = jax.random.key(seed)
    x = jax.random.normal(key, (8, 3, 16384), dtype=jnp.float32)
    return {"x": x}


def _fps_indices(points, npoints):
    # points: [B, N, 3] -> indices [B, npoints] (int32)
    B, N, _ = points.shape
    dists = jnp.full((B, N), 1e10, dtype=points.dtype)
    idxs = jnp.zeros((B, npoints), dtype=jnp.int32)  # first selected index = 0

    def body(i, state):
        dists, idxs = state
        last = idxs[:, i]  # [B]
        last_pt = jnp.take_along_axis(points, last[:, None, None].astype(jnp.int32), axis=1)  # [B,1,3]
        d = jnp.sum((points - last_pt) ** 2, axis=-1)  # [B, N]
        dists = jnp.minimum(dists, d)
        nxt = jnp.argmax(dists, axis=-1).astype(jnp.int32)  # [B]
        idxs = idxs.at[:, i + 1].set(nxt)
        return dists, idxs

    dists, idxs = jax.lax.fori_loop(0, npoints - 1, body, (dists, idxs))
    return idxs


def reference(x):
    # x: [B, 3, N]
    B, C, N = x.shape
    points = jnp.transpose(x, (0, 2, 1))  # [B, N, 3]
    idx = _fps_indices(jax.lax.stop_gradient(points), NPOINTS)  # [B, npoints]
    idx_b = jnp.broadcast_to(idx[:, None, :], (B, C, NPOINTS))
    fps_points = jnp.take_along_axis(x, idx_b, axis=2)  # [B, 3, npoints]
    return fps_points

if __name__ == "__main__":
    import jax
    _d = setup_inputs()
    print(jax.jit(kernel)(*tuple(_d.values())))

</pallas_src>

<mosaic_0001>
#map = affine_map<(d0, d1) -> (0)>
module attributes {stable_mosaic.version = 14 : i64} {
  func.func @_sc_body(%arg0: i32, %arg1: i32, %arg2: memref<393216xf32, #tpu.memory_space<hbm>>, %arg3: memref<24576xf32, #tpu.memory_space<hbm>>, %arg4: memref<16384xf32, #tpu.memory_space<vmem>>, %arg5: memref<16384xf32, #tpu.memory_space<vmem>>, %arg6: memref<16384xf32, #tpu.memory_space<vmem>>, %arg7: memref<4096xf32, #tpu.memory_space<vmem>>, %arg8: memref<1024xf32, #tpu.memory_space<vmem>>, %arg9: memref<1024xf32, #tpu.memory_space<vmem>>, %arg10: memref<1024xf32, #tpu.memory_space<vmem>>, %arg11: memref<16xf32, #tpu.memory_space<vmem>>, %arg12: memref<16xi32, #tpu.memory_space<vmem>>, %arg13: memref<48xf32, #tpu.memory_space<vmem>>, %arg14: memref<64xf32, #tpu.memory_space<vmem>>, %arg15: memref<64xi32, #tpu.memory_space<vmem>>, %arg16: memref<512xf32, #tpu.memory_space<vmem_shared>>, %arg17: memref<512xi32, #tpu.memory_space<vmem_shared>>) attributes {dimension_semantics = [#tpu.dimension_semantics<core_parallel>, #tpu.dimension_semantics<subcore_parallel>], iteration_bounds = array<i64: 2, 16>, scalar_prefetch = 0 : i64, scratch_operands = 14 : i64, tpu.core_type = #tpu.core_type<sc_vector_subcore>, window_params = [{transform_indices = #map}, {transform_indices = #map}]} {
    %jit3A = arith.constant 4 : i32
    %div3A = arith.divsi %arg1, %jit3A : i32
    %sign3A = arith.constant 0 : i32
    %sign3A_0 = arith.cmpi sgt, %arg1, %sign3A : i32
    %sign3A_1 = arith.extui %sign3A_0 : i1 to i32
    %sign3A_2 = arith.constant 0 : i32
    %sign3A_3 = arith.cmpi slt, %arg1, %sign3A_2 : i32
    %sign3A_4 = arith.extui %sign3A_3 : i1 to i32
    %sign3A_5 = arith.subi %sign3A_1, %sign3A_4 : i32
    %sign3A_6 = arith.constant 0 : i32
    %sign3A_7 = arith.cmpi sgt, %jit3A, %sign3A_6 : i32
    %sign3A_8 = arith.extui %sign3A_7 : i1 to i32
    %sign3A_9 = arith.constant 0 : i32
    %sign3A_10 = arith.cmpi slt, %jit3A, %sign3A_9 : i32
    %sign3A_11 = arith.extui %sign3A_10 : i1 to i32
    %sign3A_12 = arith.subi %sign3A_8, %sign3A_11 : i32
    %ne3A = arith.cmpi ne, %sign3A_5, %sign3A_12 : i32
    %rem3A = arith.remsi %arg1, %jit3A : i32
    %ne3A_13 = arith.constant 0 : i32
    %ne3A_14 = arith.cmpi ne, %rem3A, %ne3A_13 : i32
    %and3A = arith.andi %ne3A, %ne3A_14 : i1
    %sub3A = arith.constant 1 : i32
    %sub3A_15 = arith.subi %div3A, %sub3A : i32
    %select_n3A = arith.select %and3A, %sub3A_15, %div3A : i32
    %jit3A_16 = arith.constant 4 : i32
    %eq3A = arith.constant 0 : i32
    %eq3A_17 = arith.cmpi eq, %jit3A_16, %eq3A : i32
    %jit3A_18 = arith.constant 1 : i32
    %select_n3A_19 = arith.select %eq3A_17, %jit3A_18, %jit3A_16 : i32
    %rem3A_20 = arith.remsi %arg1, %select_n3A_19 : i32
    %ne3A_21 = arith.constant 0 : i32
    %ne3A_22 = arith.cmpi ne, %rem3A_20, %ne3A_21 : i32
    %lt3A = arith.constant 0 : i32
    %lt3A_23 = arith.cmpi slt, %rem3A_20, %lt3A : i32
    %lt3A_24 = arith.constant 0 : i32
    %lt3A_25 = arith.cmpi slt, %select_n3A_19, %lt3A_24 : i32
    %ne3A_26 = arith.xori %lt3A_23, %lt3A_25 : i1
    %and3A_27 = arith.andi %ne3A_26, %ne3A_22 : i1
    %add3A = arith.addi %rem3A_20, %select_n3A_19 : i32
    %select_n3A_28 = arith.select %and3A_27, %add3A, %rem3A_20 : i32
    %mul3A = arith.constant 4 : i32
    %mul3A_29 = arith.muli %arg0, %mul3A : i32
    %add3A_30 = arith.addi %mul3A_29, %select_n3A : i32
    %add3A_31 = arith.constant 0 : i32
    %add3A_32 = arith.addi %add3A_31, %add3A_30 : i32
    %mul3A_33 = arith.constant 16384 : i32
    %mul3A_34 = arith.muli %add3A_32, %mul3A_33 : i32
    "tpu.region"() ({
      %run_scoped3A = tpu.sem_alloc : memref<!tpu.dma_semaphore, #tpu.memory_space<semaphore_mem>>
      %dma_start3A = tpu.memref_slice %arg2[%mul3A_34] : memref<393216xf32, #tpu.memory_space<hbm>> -> memref<16384xf32, #tpu.memory_space<hbm>>
      %dma_start3A_87 = tpu.memref_slice %arg2[%mul3A_34] : memref<393216xf32, #tpu.memory_space<hbm>> -> memref<16384xf32, #tpu.memory_space<hbm>>
      tpu.enqueue_dma source(%dma_start3A_87 : memref<16384xf32, #tpu.memory_space<hbm>>) target(%arg4 : memref<16384xf32, #tpu.memory_space<vmem>>) target_semaphore(%run_scoped3A : memref<!tpu.dma_semaphore, #tpu.memory_space<semaphore_mem>>)
      %dma_wait3A = tpu.memref_slice %arg2[%mul3A_34] : memref<393216xf32, #tpu.memory_space<hbm>> -> memref<16384xf32, #tpu.memory_space<hbm>>
      %dma_wait3A_88 = tpu.memref_slice %arg2[%mul3A_34] : memref<393216xf32, #tpu.memory_space<hbm>> -> memref<16384xf32, #tpu.memory_space<hbm>>
      tpu.wait_dma2 semaphore(%run_scoped3A : memref<!tpu.dma_semaphore, #tpu.memory_space<semaphore_mem>>) src(%dma_wait3A_88 : memref<16384xf32, #tpu.memory_space<hbm>>) dst(%arg4 : memref<16384xf32, #tpu.memory_space<vmem>>)
      tpu.yield
    }) : () -> ()
    %add3A_35 = arith.constant 8 : i32
    %add3A_36 = arith.addi %add3A_35, %add3A_30 : i32
    %mul3A_37 = arith.constant 16384 : i32
    %mul3A_38 = arith.muli %add3A_36, %mul3A_37 : i32
    "tpu.region"() ({
      %run_scoped3A = tpu.sem_alloc : memref<!tpu.dma_semaphore, #tpu.memory_space<semaphore_mem>>
      %dma_start3A = tpu.memref_slice %arg2[%mul3A_38] : memref<393216xf32, #tpu.memory_space<hbm>> -> memref<16384xf32, #tpu.memory_space<hbm>>
      %dma_start3A_87 = tpu.memref_slice %arg2[%mul3A_38] : memref<393216xf32, #tpu.memory_space<hbm>> -> memref<16384xf32, #tpu.memory_space<hbm>>
      tpu.enqueue_dma source(%dma_start3A_87 : memref<16384xf32, #tpu.memory_space<hbm>>) target(%arg5 : memref<16384xf32, #tpu.memory_space<vmem>>) target_semaphore(%run_scoped3A : memref<!tpu.dma_semaphore, #tpu.memory_space<semaphore_mem>>)
      %dma_wait3A = tpu.memref_slice %arg2[%mul3A_38] : memref<393216xf32, #tpu.memory_space<hbm>> -> memref<16384xf32, #tpu.memory_space<hbm>>
      %dma_wait3A_88 = tpu.memref_slice %arg2[%mul3A_38] : memref<393216xf32, #tpu.memory_space<hbm>> -> memref<16384xf32, #tpu.memory_space<hbm>>
      tpu.wait_dma2 semaphore(%run_scoped3A : memref<!tpu.dma_semaphore, #tpu.memory_space<semaphore_mem>>) src(%dma_wait3A_88 : memref<16384xf32, #tpu.memory_space<hbm>>) dst(%arg5 : memref<16384xf32, #tpu.memory_space<vmem>>)
      tpu.yield
    }) : () -> ()
    %add3A_39 = arith.constant 16 : i32
    %add3A_40 = arith.addi %add3A_39, %add3A_30 : i32
    %mul3A_41 = arith.constant 16384 : i32
    %mul3A_42 = arith.muli %add3A_40, %mul3A_41 : i32
    "tpu.region"() ({
      %run_scoped3A = tpu.sem_alloc : memref<!tpu.dma_semaphore, #tpu.memory_space<semaphore_mem>>
      %dma_start3A = tpu.memref_slice %arg2[%mul3A_42] : memref<393216xf32, #tpu.memory_space<hbm>> -> memref<16384xf32, #tpu.memory_space<hbm>>
      %dma_start3A_87 = tpu.memref_slice %arg2[%mul3A_42] : memref<393216xf32, #tpu.memory_space<hbm>> -> memref<16384xf32, #tpu.memory_space<hbm>>
      tpu.enqueue_dma source(%dma_start3A_87 : memref<16384xf32, #tpu.memory_space<hbm>>) target(%arg6 : memref<16384xf32, #tpu.memory_space<vmem>>) target_semaphore(%run_scoped3A : memref<!tpu.dma_semaphore, #tpu.memory_space<semaphore_mem>>)
      %dma_wait3A = tpu.memref_slice %arg2[%mul3A_42] : memref<393216xf32, #tpu.memory_space<hbm>> -> memref<16384xf32, #tpu.memory_space<hbm>>
      %dma_wait3A_88 = tpu.memref_slice %arg2[%mul3A_42] : memref<393216xf32, #tpu.memory_space<hbm>> -> memref<16384xf32, #tpu.memory_space<hbm>>
      tpu.wait_dma2 semaphore(%run_scoped3A : memref<!tpu.dma_semaphore, #tpu.memory_space<semaphore_mem>>) src(%dma_wait3A_88 : memref<16384xf32, #tpu.memory_space<hbm>>) dst(%arg6 : memref<16384xf32, #tpu.memory_space<vmem>>)
      tpu.yield
    }) : () -> ()
    %iota3A = tpu.iota {dimensions = array<i32: 0>} : vector<16xi32>
    %eq3A_43 = arith.constant 0 : i32
    %eq3A_44 = vector.broadcast %eq3A_43 : i32 to vector<16xi32>
    %eq3A_45 = arith.cmpi eq, %iota3A, %eq3A_44 : vector<16xi32>
    %broadcast_in_dim3A = arith.constant 1.000000e+10 : f32
    %broadcast_in_dim3A_46 = vector.broadcast %broadcast_in_dim3A : f32 to vector<16xf32>
    %scan3A = arith.constant 0 : i32
    %scan3A_47 = arith.constant 0 : i32
    %scan3A_48 = arith.constant 256 : i32
    %scan3A_49 = arith.addi %scan3A_47, %scan3A_48 : i32
    %scan3A_50 = arith.constant 1 : i32
    scf.for %scan3A_87 = %scan3A_47 to %scan3A_49 step %scan3A_50  : i32 {
      %mul3A_88 = arith.constant 16 : i32
      %mul3A_89 = arith.muli %scan3A_87, %mul3A_88 : i32
      %swap3A_90 = arith.index_cast %mul3A_89 : i32 to index
      %swap3A_91 = tpu.vector_load %arg7[%swap3A_90] {strides = array<i32>} : memref<4096xf32, #tpu.memory_space<vmem>>, vector<16xf32>,
      tpu.vector_store %arg7[%swap3A_90], %broadcast_in_dim3A_46 {strides = array<i32>} : memref<4096xf32, #tpu.memory_space<vmem>>, vector<16xf32>,
    }
    %scan3A_51 = arith.constant 256 : i32
    %get3A = arith.constant 0 : index
    %get3A_52 = tpu.vector_load %arg7[%get3A] {strides = array<i32>} : memref<4096xf32, #tpu.memory_space<vmem>>, vector<16xf32>,
    %reduce_max3A = arith.constant true
    %reduce_max3A_53 = vector.broadcast %reduce_max3A : i1 to vector<16xi1>
    %reduce_max3A_54 = tpu.scan <max>, %get3A_52 masked %reduce_max3A_53 : vector<16xf32>, vector<16xi1> -> vector<16xf32>
    %reduce_max3A_55 = vector.extract %reduce_max3A_54[15] : f32 from vector<16xf32>
    %eq3A_56 = vector.broadcast %reduce_max3A_55 : f32 to vector<16xf32>
    %eq3A_57 = arith.cmpf oeq, %get3A_52, %eq3A_56 : vector<16xf32>
    %jit3A_58 = arith.constant 16384 : i32
    %broadcast_in_dim3A_59 = vector.broadcast %jit3A_58 : i32 to vector<16xi32>
    %select_n3A_60 = arith.select %eq3A_57, %iota3A, %broadcast_in_dim3A_59 : vector<16xi1>, vector<16xi32>
    %reduce_min3A = arith.constant true
    %reduce_min3A_61 = vector.broadcast %reduce_min3A : i1 to vector<16xi1>
    %reduce_min3A_62 = arith.constant -2147483648 : i32
    %reduce_min3A_63 = vector.broadcast %reduce_min3A_62 : i32 to vector<16xi32>
    %reduce_min3A_64 = arith.xori %select_n3A_60, %reduce_min3A_63 : vector<16xi32>
    %reduce_min3A_65 = tpu.scan <min>, %reduce_min3A_64 masked %reduce_min3A_61 : vector<16xi32>, vector<16xi1> -> vector<16xi32>
    %reduce_min3A_66 = arith.xori %reduce_min3A_65, %reduce_min3A_63 : vector<16xi32>
    %reduce_min3A_67 = vector.extract %reduce_min3A_66[15] : i32 from vector<16xi32>
    %broadcast_in_dim3A_68 = vector.broadcast %reduce_min3A_67 : i32 to vector<16xi32>
    %gather3A = tpu.vector_load_idx %arg4[%broadcast_in_dim3A_68] : memref<16384xf32, #tpu.memory_space<vmem>>[vector<16xi32>], vector<16xf32>,
    %swap3A = arith.constant 0 : index
    %swap3A_69 = tpu.vector_load %arg13[%swap3A] {strides = array<i32>} : memref<48xf32, #tpu.memory_space<vmem>>, vector<16xf32>,
    tpu.vector_store %arg13[%swap3A], %gather3A {strides = array<i32>} : memref<48xf32, #tpu.memory_space<vmem>>, vector<16xf32>,
    tpu.vector_store_idx %arg8[%broadcast_in_dim3A_68], %gather3A masked %eq3A_45 : memref<1024xf32, #tpu.memory_space<vmem>>[vector<16xi32>], vector<16xf32>, vector<16xi1>
    %gather3A_70 = tpu.vector_load_idx %arg5[%broadcast_in_dim3A_68] : memref<16384xf32, #tpu.memory_space<vmem>>[vector<16xi32>], vector<16xf32>,
    %swap3A_71 = arith.constant 16 : index
    %swap3A_72 = tpu.vector_load %arg13[%swap3A_71] {strides = array<i32>} : memref<48xf32, #tpu.memory_space<vmem>>, vector<16xf32>,
    tpu.vector_store %arg13[%swap3A_71], %gather3A_70 {strides = array<i32>} : memref<48xf32, #tpu.memory_space<vmem>>, vector<16xf32>,
    tpu.vector_store_idx %arg9[%broadcast_in_dim3A_68], %gather3A_70 masked %eq3A_45 : memref<1024xf32, #tpu.memory_space<vmem>>[vector<16xi32>], vector<16xf32>, vector<16xi1>
    %gather3A_73 = tpu.vector_load_idx %arg6[%broadcast_in_dim3A_68] : memref<16384xf32, #tpu.memory_space<vmem>>[vector<16xi32>], vector<16xf32>,
    %swap3A_74 = arith.constant 32 : index
    %swap3A_75 = tpu.vector_load %arg13[%swap3A_74] {strides = array<i32>} : memref<48xf32, #tpu.memory_space<vmem>>, vector<16xf32>,
    tpu.vector_store %arg13[%swap3A_74], %gather3A_73 {strides = array<i32>} : memref<48xf32, #tpu.memory_space<vmem>>, vector<16xf32>,
    tpu.vector_store_idx %arg10[%broadcast_in_dim3A_68], %gather3A_73 masked %eq3A_45 : memref<1024xf32, #tpu.memory_space<vmem>>[vector<16xi32>], vector<16xf32>, vector<16xi1>
    %mul3A_76 = arith.constant 4096 : i32
    %mul3A_77 = arith.muli %select_n3A_28, %mul3A_76 : i32
    %scan3A_78 = arith.constant 0 : i32
    %scan3A_79 = arith.constant 0 : i32
    %scan3A_80 = arith.constant 1023 : i32
    %scan3A_81 = arith.addi %scan3A_79, %scan3A_80 : i32
    %scan3A_82 = arith.constant 1 : i32
    scf.for %scan3A_87 = %scan3A_79 to %scan3A_81 step %scan3A_82  : i32 {
      %get3A_88 = arith.constant 0 : index
      %get3A_89 = tpu.vector_load %arg13[%get3A_88] {strides = array<i32>} : memref<48xf32, #tpu.memory_space<vmem>>, vector<16xf32>,
      %get3A_90 = arith.constant 16 : index
      %get3A_91 = tpu.vector_load %arg13[%get3A_90] {strides = array<i32>} : memref<48xf32, #tpu.memory_space<vmem>>, vector<16xf32>,
      %get3A_92 = arith.constant 32 : index
      %get3A_93 = tpu.vector_load %arg13[%get3A_92] {strides = array<i32>} : memref<48xf32, #tpu.memory_space<vmem>>, vector<16xf32>,
      %broadcast_in_dim3A_94 = arith.constant -1.000000e+00 : f32
      %broadcast_in_dim3A_95 = vector.broadcast %broadcast_in_dim3A_94 : f32 to vector<16xf32>
      %swap3A_96 = arith.constant 0 : index
      %swap3A_97 = tpu.vector_load %arg11[%swap3A_96] {strides = array<i32>} : memref<16xf32, #tpu.memory_space<vmem>>, vector<16xf32>,
      tpu.vector_store %arg11[%swap3A_96], %broadcast_in_dim3A_95 {strides = array<i32>} : memref<16xf32, #tpu.memory_space<vmem>>, vector<16xf32>,
      %broadcast_in_dim3A_98 = arith.constant 0 : i32
      %broadcast_in_dim3A_99 = vector.broadcast %broadcast_in_dim3A_98 : i32 to vector<16xi32>
      %swap3A_100 = arith.constant 0 : index
      %swap3A_101 = tpu.vector_load %arg12[%swap3A_100] {strides = array<i32>} : memref<16xi32, #tpu.memory_space<vmem>>, vector<16xi32>,
      tpu.vector_store %arg12[%swap3A_100], %broadcast_in_dim3A_99 {strides = array<i32>} : memref<16xi32, #tpu.memory_space<vmem>>, vector<16xi32>,
      %scan3A_102 = arith.constant 0 : i32
      %scan3A_103 = arith.constant 0 : i32
      %scan3A_104 = arith.constant 256 : i32
      %scan3A_105 = arith.addi %scan3A_103, %scan3A_104 : i32
      %scan3A_106 = arith.constant 1 : i32
      scf.for %scan3A_199 = %scan3A_103 to %scan3A_105 step %scan3A_106  : i32 {
        %mul3A_200 = arith.constant 16 : i32
        %mul3A_201 = arith.muli %scan3A_199, %mul3A_200 : i32
        %add3A_202 = arith.addi %mul3A_77, %mul3A_201 : i32
        %get3A_203 = arith.index_cast %add3A_202 : i32 to index
        %get3A_204 = tpu.vector_load %arg4[%get3A_203] {strides = array<i32>} : memref<16384xf32, #tpu.memory_space<vmem>>, vector<16xf32>,
        %add3A_205 = arith.addi %mul3A_77, %mul3A_201 : i32
        %get3A_206 = arith.index_cast %add3A_205 : i32 to index
        %get3A_207 = tpu.vector_load %arg5[%get3A_206] {strides = array<i32>} : memref<16384xf32, #tpu.memory_space<vmem>>, vector<16xf32>,
        %add3A_208 = arith.addi %mul3A_77, %mul3A_201 : i32
        %get3A_209 = arith.index_cast %add3A_208 : i32 to index
        %get3A_210 = tpu.vector_load %arg6[%get3A_209] {strides = array<i32>} : memref<16384xf32, #tpu.memory_space<vmem>>, vector<16xf32>,
        %sub3A_211 = arith.subf %get3A_204, %get3A_89 : vector<16xf32>
        %sub3A_212 = arith.subf %get3A_207, %get3A_91 : vector<16xf32>
        %sub3A_213 = arith.subf %get3A_210, %get3A_93 : vector<16xf32>
        %mul3A_214 = arith.mulf %sub3A_211, %sub3A_211 : vector<16xf32>
        %mul3A_215 = arith.mulf %sub3A_212, %sub3A_212 : vector<16xf32>
        %add3A_216 = arith.addf %mul3A_214, %mul3A_215 : vector<16xf32>
        %mul3A_217 = arith.mulf %sub3A_213, %sub3A_213 : vector<16xf32>
        %add3A_218 = arith.addf %add3A_216, %mul3A_217 : vector<16xf32>
        %get3A_219 = arith.index_cast %mul3A_201 : i32 to index
        %get3A_220 = tpu.vector_load %arg7[%get3A_219] {strides = array<i32>} : memref<4096xf32, #tpu.memory_space<vmem>>, vector<16xf32>,
        %min3A = arith.minimumf %get3A_220, %add3A_218 : vector<16xf32>
        %swap3A_221 = arith.index_cast %mul3A_201 : i32 to index
        %swap3A_222 = tpu.vector_load %arg7[%swap3A_221] {strides = array<i32>} : memref<4096xf32, #tpu.memory_space<vmem>>, vector<16xf32>,
        tpu.vector_store %arg7[%swap3A_221], %min3A {strides = array<i32>} : memref<4096xf32, #tpu.memory_space<vmem>>, vector<16xf32>,
        %add3A_223 = arith.addi %mul3A_77, %mul3A_201 : i32
        %add3A_224 = vector.broadcast %add3A_223 : i32 to vector<16xi32>
        %add3A_225 = arith.addi %iota3A, %add3A_224 : vector<16xi32>
        %get3A_226 = arith.constant 0 : index
        %get3A_227 = tpu.vector_load %arg11[%get3A_226] {strides = array<i32>} : memref<16xf32, #tpu.memory_space<vmem>>, vector<16xf32>,
        %get3A_228 = arith.constant 0 : index
        %get3A_229 = tpu.vector_load %arg12[%get3A_228] {strides = array<i32>} : memref<16xi32, #tpu.memory_space<vmem>>, vector<16xi32>,
        %gt3A_230 = arith.cmpf ogt, %min3A, %get3A_227 : vector<16xf32>
        %select_n3A_231 = arith.select %gt3A_230, %min3A, %get3A_227 : vector<16xi1>, vector<16xf32>
        %swap3A_232 = arith.constant 0 : index
        %swap3A_233 = tpu.vector_load %arg11[%swap3A_232] {strides = array<i32>} : memref<16xf32, #tpu.memory_space<vmem>>, vector<16xf32>,
        tpu.vector_store %arg11[%swap3A_232], %select_n3A_231 {strides = array<i32>} : memref<16xf32, #tpu.memory_space<vmem>>, vector<16xf32>,
        %select_n3A_234 = arith.select %gt3A_230, %add3A_225, %get3A_229 : vector<16xi1>, vector<16xi32>
        %swap3A_235 = arith.constant 0 : index
        %swap3A_236 = tpu.vector_load %arg12[%swap3A_235] {strides = array<i32>} : memref<16xi32, #tpu.memory_space<vmem>>, vector<16xi32>,
        tpu.vector_store %arg12[%swap3A_235], %select_n3A_234 {strides = array<i32>} : memref<16xi32, #tpu.memory_space<vmem>>, vector<16xi32>,
      }
      %scan3A_107 = arith.constant 256 : i32
      %jit3A_108 = arith.constant 2 : i32
      %eq3A_109 = arith.constant 0 : i32
      %eq3A_110 = arith.cmpi eq, %jit3A_108, %eq3A_109 : i32
      %jit3A_111 = arith.constant 1 : i32
      %select_n3A_112 = arith.select %eq3A_110, %jit3A_111, %jit3A_108 : i32
      %rem3A_113 = arith.remsi %scan3A_87, %select_n3A_112 : i32
      %ne3A_114 = arith.constant 0 : i32
      %ne3A_115 = arith.cmpi ne, %rem3A_113, %ne3A_114 : i32
      %lt3A_116 = arith.constant 0 : i32
      %lt3A_117 = arith.cmpi slt, %rem3A_113, %lt3A_116 : i32
      %lt3A_118 = arith.constant 0 : i32
      %lt3A_119 = arith.cmpi slt, %select_n3A_112, %lt3A_118 : i32
      %ne3A_120 = arith.xori %lt3A_117, %lt3A_119 : i1
      %and3A_121 = arith.andi %ne3A_120, %ne3A_115 : i1
      %add3A_122 = arith.addi %rem3A_113, %select_n3A_112 : i32
      %select_n3A_123 = arith.select %and3A_121, %add3A_122, %rem3A_113 : i32
      %mul3A_124 = arith.constant 256 : i32
      %mul3A_125 = arith.muli %select_n3A_123, %mul3A_124 : i32
      %mul3A_126 = arith.constant 16 : i32
      %mul3A_127 = arith.muli %arg1, %mul3A_126 : i32
      %add3A_128 = arith.addi %mul3A_125, %mul3A_127 : i32
      "tpu.region"() ({
        %run_scoped3A = tpu.sem_alloc : memref<!tpu.dma_semaphore, #tpu.memory_space<semaphore_mem>>
        %dma_start3A = tpu.memref_slice %arg16[%add3A_128] : memref<512xf32, #tpu.memory_space<vmem_shared>> -> memref<16xf32, #tpu.memory_space<vmem_shared>>
        %dma_start3A_199 = tpu.memref_slice %arg16[%add3A_128] : memref<512xf32, #tpu.memory_space<vmem_shared>> -> memref<16xf32, #tpu.memory_space<vmem_shared>>
        tpu.enqueue_dma source(%arg11 : memref<16xf32, #tpu.memory_space<vmem>>) target(%dma_start3A_199 : memref<16xf32, #tpu.memory_space<vmem_shared>>) target_semaphore(%run_scoped3A : memref<!tpu.dma_semaphore, #tpu.memory_space<semaphore_mem>>)
        %dma_wait3A = tpu.memref_slice %arg16[%add3A_128] : memref<512xf32, #tpu.memory_space<vmem_shared>> -> memref<16xf32, #tpu.memory_space<vmem_shared>>
        %dma_wait3A_200 = tpu.memref_slice %arg16[%add3A_128] : memref<512xf32, #tpu.memory_space<vmem_shared>> -> memref<16xf32, #tpu.memory_space<vmem_shared>>
        tpu.wait_dma2 semaphore(%run_scoped3A : memref<!tpu.dma_semaphore, #tpu.memory_space<semaphore_mem>>) src(%arg11 : memref<16xf32, #tpu.memory_space<vmem>>) dst(%dma_wait3A_200 : memref<16xf32, #tpu.memory_space<vmem_shared>>)
        tpu.yield
      }) : () -> ()
      "tpu.region"() ({
        %run_scoped3A = tpu.sem_alloc : memref<!tpu.dma_semaphore, #tpu.memory_space<semaphore_mem>>
        %dma_start3A = tpu.memref_slice %arg17[%add3A_128] : memref<512xi32, #tpu.memory_space<vmem_shared>> -> memref<16xi32, #tpu.memory_space<vmem_shared>>
        %dma_start3A_199 = tpu.memref_slice %arg17[%add3A_128] : memref<512xi32, #tpu.memory_space<vmem_shared>> -> memref<16xi32, #tpu.memory_space<vmem_shared>>
        tpu.enqueue_dma source(%arg12 : memref<16xi32, #tpu.memory_space<vmem>>) target(%dma_start3A_199 : memref<16xi32, #tpu.memory_space<vmem_shared>>) target_semaphore(%run_scoped3A : memref<!tpu.dma_semaphore, #tpu.memory_space<semaphore_mem>>)
        %dma_wait3A = tpu.memref_slice %arg17[%add3A_128] : memref<512xi32, #tpu.memory_space<vmem_shared>> -> memref<16xi32, #tpu.memory_space<vmem_shared>>
        %dma_wait3A_200 = tpu.memref_slice %arg17[%add3A_128] : memref<512xi32, #tpu.memory_space<vmem_shared>> -> memref<16xi32, #tpu.memory_space<vmem_shared>>
        tpu.wait_dma2 semaphore(%run_scoped3A : memref<!tpu.dma_semaphore, #tpu.memory_space<semaphore_mem>>) src(%arg12 : memref<16xi32, #tpu.memory_space<vmem>>) dst(%dma_wait3A_200 : memref<16xi32, #tpu.memory_space<vmem_shared>>)
        tpu.yield
      }) : () -> ()
      %barrier3A = arith.constant 0 : index
      tpu.barrier barrier_id(%barrier3A)
      %mul3A_129 = arith.constant 256 : i32
      %mul3A_130 = arith.muli %select_n3A_123, %mul3A_129 : i32
      %mul3A_131 = arith.constant 64 : i32
      %mul3A_132 = arith.muli %select_n3A, %mul3A_131 : i32
      %add3A_133 = arith.addi %mul3A_130, %mul3A_132 : i32
      "tpu.region"() ({
        %run_scoped3A = tpu.sem_alloc : memref<!tpu.dma_semaphore, #tpu.memory_space<semaphore_mem>>
        %dma_start3A = tpu.memref_slice %arg16[%add3A_133] : memref<512xf32, #tpu.memory_space<vmem_shared>> -> memref<64xf32, #tpu.memory_space<vmem_shared>>
        %dma_start3A_199 = tpu.memref_slice %arg16[%add3A_133] : memref<512xf32, #tpu.memory_space<vmem_shared>> -> memref<64xf32, #tpu.memory_space<vmem_shared>>
        tpu.enqueue_dma source(%dma_start3A_199 : memref<64xf32, #tpu.memory_space<vmem_shared>>) target(%arg14 : memref<64xf32, #tpu.memory_space<vmem>>) target_semaphore(%run_scoped3A : memref<!tpu.dma_semaphore, #tpu.memory_space<semaphore_mem>>)
        %dma_wait3A = tpu.memref_slice %arg16[%add3A_133] : memref<512xf32, #tpu.memory_space<vmem_shared>> -> memref<64xf32, #tpu.memory_space<vmem_shared>>
        %dma_wait3A_200 = tpu.memref_slice %arg16[%add3A_133] : memref<512xf32, #tpu.memory_space<vmem_shared>> -> memref<64xf32, #tpu.memory_space<vmem_shared>>
        tpu.wait_dma2 semaphore(%run_scoped3A : memref<!tpu.dma_semaphore, #tpu.memory_space<semaphore_mem>>) src(%dma_wait3A_200 : memref<64xf32, #tpu.memory_space<vmem_shared>>) dst(%arg14 : memref<64xf32, #tpu.memory_space<vmem>>)
        tpu.yield
      }) : () -> ()
      "tpu.region"() ({
        %run_scoped3A = tpu.sem_alloc : memref<!tpu.dma_semaphore, #tpu.memory_space<semaphore_mem>>
        %dma_start3A = tpu.memref_slice %arg17[%add3A_133] : memref<512xi32, #tpu.memory_space<vmem_shared>> -> memref<64xi32, #tpu.memory_space<vmem_shared>>
        %dma_start3A_199 = tpu.memref_slice %arg17[%add3A_133] : memref<512xi32, #tpu.memory_space<vmem_shared>> -> memref<64xi32, #tpu.memory_space<vmem_shared>>
        tpu.enqueue_dma source(%dma_start3A_199 : memref<64xi32, #tpu.memory_space<vmem_shared>>) target(%arg15 : memref<64xi32, #tpu.memory_space<vmem>>) target_semaphore(%run_scoped3A : memref<!tpu.dma_semaphore, #tpu.memory_space<semaphore_mem>>)
        %dma_wait3A = tpu.memref_slice %arg17[%add3A_133] : memref<512xi32, #tpu.memory_space<vmem_shared>> -> memref<64xi32, #tpu.memory_space<vmem_shared>>
        %dma_wait3A_200 = tpu.memref_slice %arg17[%add3A_133] : memref<512xi32, #tpu.memory_space<vmem_shared>> -> memref<64xi32, #tpu.memory_space<vmem_shared>>
        tpu.wait_dma2 semaphore(%run_scoped3A : memref<!tpu.dma_semaphore, #tpu.memory_space<semaphore_mem>>) src(%dma_wait3A_200 : memref<64xi32, #tpu.memory_space<vmem_shared>>) dst(%arg15 : memref<64xi32, #tpu.memory_space<vmem>>)
        tpu.yield
      }) : () -> ()
      %get3A_134 = arith.constant 0 : index
      %get3A_135 = tpu.vector_load %arg14[%get3A_134] {strides = array<i32>} : memref<64xf32, #tpu.memory_space<vmem>>, vector<16xf32>,
      %get3A_136 = arith.constant 0 : index
      %get3A_137 = tpu.vector_load %arg15[%get3A_136] {strides = array<i32>} : memref<64xi32, #tpu.memory_space<vmem>>, vector<16xi32>,
      %get3A_138 = arith.constant 16 : index
      %get3A_139 = tpu.vector_load %arg14[%get3A_138] {strides = array<i32>} : memref<64xf32, #tpu.memory_space<vmem>>, vector<16xf32>,
      %get3A_140 = arith.constant 16 : index
      %get3A_141 = tpu.vector_load %arg15[%get3A_140] {strides = array<i32>} : memref<64xi32, #tpu.memory_space<vmem>>, vector<16xi32>,
      %gt3A = arith.cmpf ogt, %get3A_139, %get3A_135 : vector<16xf32>
      %eq3A_142 = arith.cmpf oeq, %get3A_139, %get3A_135 : vector<16xf32>
      %lt3A_143 = arith.cmpi slt, %get3A_141, %get3A_137 : vector<16xi32>
      %and3A_144 = arith.andi %eq3A_142, %lt3A_143 : vector<16xi1>
      %or3A = arith.ori %gt3A, %and3A_144 : vector<16xi1>
      %select_n3A_145 = arith.select %or3A, %get3A_139, %get3A_135 : vector<16xi1>, vector<16xf32>
      %select_n3A_146 = arith.select %or3A, %get3A_141, %get3A_137 : vector<16xi1>, vector<16xi32>
      %get3A_147 = arith.constant 32 : index
      %get3A_148 = tpu.vector_load %arg14[%get3A_147] {strides = array<i32>} : memref<64xf32, #tpu.memory_space<vmem>>, vector<16xf32>,
      %get3A_149 = arith.constant 32 : index
      %get3A_150 = tpu.vector_load %arg15[%get3A_149] {strides = array<i32>} : memref<64xi32, #tpu.memory_space<vmem>>, vector<16xi32>,
      %gt3A_151 = arith.cmpf ogt, %get3A_148, %select_n3A_145 : vector<16xf32>
      %eq3A_152 = arith.cmpf oeq, %get3A_148, %select_n3A_145 : vector<16xf32>
      %lt3A_153 = arith.cmpi slt, %get3A_150, %select_n3A_146 : vector<16xi32>
      %and3A_154 = arith.andi %eq3A_152, %lt3A_153 : vector<16xi1>
      %or3A_155 = arith.ori %gt3A_151, %and3A_154 : vector<16xi1>
      %select_n3A_156 = arith.select %or3A_155, %get3A_148, %select_n3A_145 : vector<16xi1>, vector<16xf32>
      %select_n3A_157 = arith.select %or3A_155, %get3A_150, %select_n3A_146 : vector<16xi1>, vector<16xi32>
      %get3A_158 = arith.constant 48 : index
      %get3A_159 = tpu.vector_load %arg14[%get3A_158] {strides = array<i32>} : memref<64xf32, #tpu.memory_space<vmem>>, vector<16xf32>,
      %get3A_160 = arith.constant 48 : index
      %get3A_161 = tpu.vector_load %arg15[%get3A_160] {strides = array<i32>} : memref<64xi32, #tpu.memory_space<vmem>>, vector<16xi32>,
      %gt3A_162 = arith.cmpf ogt, %get3A_159, %select_n3A_156 : vector<16xf32>
      %eq3A_163 = arith.cmpf oeq, %get3A_159, %select_n3A_156 : vector<16xf32>
      %lt3A_164 = arith.cmpi slt, %get3A_161, %select_n3A_157 : vector<16xi32>
      %and3A_165 = arith.andi %eq3A_163, %lt3A_164 : vector<16xi1>
      %or3A_166 = arith.ori %gt3A_162, %and3A_165 : vector<16xi1>
      %select_n3A_167 = arith.select %or3A_166, %get3A_159, %select_n3A_156 : vector<16xi1>, vector<16xf32>
      %select_n3A_168 = arith.select %or3A_166, %get3A_161, %select_n3A_157 : vector<16xi1>, vector<16xi32>
      %reduce_max3A_169 = arith.constant true
      %reduce_max3A_170 = vector.broadcast %reduce_max3A_169 : i1 to vector<16xi1>
      %reduce_max3A_171 = tpu.scan <max>, %select_n3A_167 masked %reduce_max3A_170 : vector<16xf32>, vector<16xi1> -> vector<16xf32>
      %reduce_max3A_172 = vector.extract %reduce_max3A_171[15] : f32 from vector<16xf32>
      %eq3A_173 = vector.broadcast %reduce_max3A_172 : f32 to vector<16xf32>
      %eq3A_174 = arith.cmpf oeq, %select_n3A_167, %eq3A_173 : vector<16xf32>
      %jit3A_175 = arith.constant 16384 : i32
      %broadcast_in_dim3A_176 = vector.broadcast %jit3A_175 : i32 to vector<16xi32>
      %select_n3A_177 = arith.select %eq3A_174, %select_n3A_168, %broadcast_in_dim3A_176 : vector<16xi1>, vector<16xi32>
      %reduce_min3A_178 = arith.constant true
      %reduce_min3A_179 = vector.broadcast %reduce_min3A_178 : i1 to vector<16xi1>
      %reduce_min3A_180 = arith.constant -2147483648 : i32
      %reduce_min3A_181 = vector.broadcast %reduce_min3A_180 : i32 to vector<16xi32>
      %reduce_min3A_182 = arith.xori %select_n3A_177, %reduce_min3A_181 : vector<16xi32>
      %reduce_min3A_183 = tpu.scan <min>, %reduce_min3A_182 masked %reduce_min3A_179 : vector<16xi32>, vector<16xi1> -> vector<16xi32>
      %reduce_min3A_184 = arith.xori %reduce_min3A_183, %reduce_min3A_181 : vector<16xi32>
      %reduce_min3A_185 = vector.extract %reduce_min3A_184[15] : i32 from vector<16xi32>
      %broadcast_in_dim3A_186 = vector.broadcast %reduce_min3A_185 : i32 to vector<16xi32>
      %add3A_187 = arith.constant 1 : i32
      %add3A_188 = arith.addi %scan3A_87, %add3A_187 : i32
      %broadcast_in_dim3A_189 = vector.broadcast %add3A_188 : i32 to vector<16xi32>
      %gather3A_190 = tpu.vector_load_idx %arg4[%broadcast_in_dim3A_186] : memref<16384xf32, #tpu.memory_space<vmem>>[vector<16xi32>], vector<16xf32>,
      %swap3A_191 = arith.constant 0 : index
      %swap3A_192 = tpu.vector_load %arg13[%swap3A_191] {strides = array<i32>} : memref<48xf32, #tpu.memory_space<vmem>>, vector<16xf32>,
      tpu.vector_store %arg13[%swap3A_191], %gather3A_190 {strides = array<i32>} : memref<48xf32, #tpu.memory_space<vmem>>, vector<16xf32>,
      tpu.vector_store_idx %arg8[%broadcast_in_dim3A_189], %gather3A_190 masked %eq3A_45 : memref<1024xf32, #tpu.memory_space<vmem>>[vector<16xi32>], vector<16xf32>, vector<16xi1>
      %gather3A_193 = tpu.vector_load_idx %arg5[%broadcast_in_dim3A_186] : memref<16384xf32, #tpu.memory_space<vmem>>[vector<16xi32>], vector<16xf32>,
      %swap3A_194 = arith.constant 16 : index
      %swap3A_195 = tpu.vector_load %arg13[%swap3A_194] {strides = array<i32>} : memref<48xf32, #tpu.memory_space<vmem>>, vector<16xf32>,
      tpu.vector_store %arg13[%swap3A_194], %gather3A_193 {strides = array<i32>} : memref<48xf32, #tpu.memory_space<vmem>>, vector<16xf32>,
      tpu.vector_store_idx %arg9[%broadcast_in_dim3A_189], %gather3A_193 masked %eq3A_45 : memref<1024xf32, #tpu.memory_space<vmem>>[vector<16xi32>], vector<16xf32>, vector<16xi1>
      %gather3A_196 = tpu.vector_load_idx %arg6[%broadcast_in_dim3A_186] : memref<16384xf32, #tpu.memory_space<vmem>>[vector<16xi32>], vector<16xf32>,
      %swap3A_197 = arith.constant 32 : index
      %swap3A_198 = tpu.vector_load %arg13[%swap3A_197] {strides = array<i32>} : memref<48xf32, #tpu.memory_space<vmem>>, vector<16xf32>,
      tpu.vector_store %arg13[%swap3A_197], %gather3A_196 {strides = array<i32>} : memref<48xf32, #tpu.memory_space<vmem>>, vector<16xf32>,
      tpu.vector_store_idx %arg10[%broadcast_in_dim3A_189], %gather3A_196 masked %eq3A_45 : memref<1024xf32, #tpu.memory_space<vmem>>[vector<16xi32>], vector<16xf32>, vector<16xi1>
    }
    %scan3A_83 = arith.constant 1023 : i32
    %eq3A_84 = arith.constant 0 : i32
    %eq3A_85 = arith.cmpi eq, %select_n3A_28, %eq3A_84 : i32
    %convert_element_type3A = arith.extui %eq3A_85 : i1 to i32
    %cond3A = arith.constant 0 : i32
    %cond3A_86 = arith.cmpi ne, %convert_element_type3A, %cond3A : i32
    scf.if %cond3A_86 {
      %mul3A_87 = arith.constant 3 : i32
      %mul3A_88 = arith.muli %add3A_30, %mul3A_87 : i32
      %add3A_89 = arith.constant 0 : i32
      %add3A_90 = arith.addi %mul3A_88, %add3A_89 : i32
      %mul3A_91 = arith.constant 1024 : i32
      %mul3A_92 = arith.muli %add3A_90, %mul3A_91 : i32
      "tpu.region"() ({
        %run_scoped3A = tpu.sem_alloc : memref<!tpu.dma_semaphore, #tpu.memory_space<semaphore_mem>>
        %dma_start3A = tpu.memref_slice %arg3[%mul3A_92] : memref<24576xf32, #tpu.memory_space<hbm>> -> memref<1024xf32, #tpu.memory_space<hbm>>
        %dma_start3A_105 = tpu.memref_slice %arg3[%mul3A_92] : memref<24576xf32, #tpu.memory_space<hbm>> -> memref<1024xf32, #tpu.memory_space<hbm>>
        tpu.enqueue_dma source(%arg8 : memref<1024xf32, #tpu.memory_space<vmem>>) target(%dma_start3A_105 : memref<1024xf32, #tpu.memory_space<hbm>>) target_semaphore(%run_scoped3A : memref<!tpu.dma_semaphore, #tpu.memory_space<semaphore_mem>>)
        %dma_wait3A = tpu.memref_slice %arg3[%mul3A_92] : memref<24576xf32, #tpu.memory_space<hbm>> -> memref<1024xf32, #tpu.memory_space<hbm>>
        %dma_wait3A_106 = tpu.memref_slice %arg3[%mul3A_92] : memref<24576xf32, #tpu.memory_space<hbm>> -> memref<1024xf32, #tpu.memory_space<hbm>>
        tpu.wait_dma2 semaphore(%run_scoped3A : memref<!tpu.dma_semaphore, #tpu.memory_space<semaphore_mem>>) src(%arg8 : memref<1024xf32, #tpu.memory_space<vmem>>) dst(%dma_wait3A_106 : memref<1024xf32, #tpu.memory_space<hbm>>)
        tpu.yield
      }) : () -> ()
      %mul3A_93 = arith.constant 3 : i32
      %mul3A_94 = arith.muli %add3A_30, %mul3A_93 : i32
      %add3A_95 = arith.constant 1 : i32
      %add3A_96 = arith.addi %mul3A_94, %add3A_95 : i32
      %mul3A_97 = arith.constant 1024 : i32
      %mul3A_98 = arith.muli %add3A_96, %mul3A_97 : i32
      "tpu.region"() ({
        %run_scoped3A = tpu.sem_alloc : memref<!tpu.dma_semaphore, #tpu.memory_space<semaphore_mem>>
        %dma_start3A = tpu.memref_slice %arg3[%mul3A_98] : memref<24576xf32, #tpu.memory_space<hbm>> -> memref<1024xf32, #tpu.memory_space<hbm>>
        %dma_start3A_105 = tpu.memref_slice %arg3[%mul3A_98] : memref<24576xf32, #tpu.memory_space<hbm>> -> memref<1024xf32, #tpu.memory_space<hbm>>
        tpu.enqueue_dma source(%arg9 : memref<1024xf32, #tpu.memory_space<vmem>>) target(%dma_start3A_105 : memref<1024xf32, #tpu.memory_space<hbm>>) target_semaphore(%run_scoped3A : memref<!tpu.dma_semaphore, #tpu.memory_space<semaphore_mem>>)
        %dma_wait3A = tpu.memref_slice %arg3[%mul3A_98] : memref<24576xf32, #tpu.memory_space<hbm>> -> memref<1024xf32, #tpu.memory_space<hbm>>
        %dma_wait3A_106 = tpu.memref_slice %arg3[%mul3A_98] : memref<24576xf32, #tpu.memory_space<hbm>> -> memref<1024xf32, #tpu.memory_space<hbm>>
        tpu.wait_dma2 semaphore(%run_scoped3A : memref<!tpu.dma_semaphore, #tpu.memory_space<semaphore_mem>>) src(%arg9 : memref<1024xf32, #tpu.memory_space<vmem>>) dst(%dma_wait3A_106 : memref<1024xf32, #tpu.memory_space<hbm>>)
        tpu.yield
      }) : () -> ()
      %mul3A_99 = arith.constant 3 : i32
      %mul3A_100 = arith.muli %add3A_30, %mul3A_99 : i32
      %add3A_101 = arith.constant 2 : i32
      %add3A_102 = arith.addi %mul3A_100, %add3A_101 : i32
      %mul3A_103 = arith.constant 1024 : i32
      %mul3A_104 = arith.muli %add3A_102, %mul3A_103 : i32
      "tpu.region"() ({
        %run_scoped3A = tpu.sem_alloc : memref<!tpu.dma_semaphore, #tpu.memory_space<semaphore_mem>>
        %dma_start3A = tpu.memref_slice %arg3[%mul3A_104] : memref<24576xf32, #tpu.memory_space<hbm>> -> memref<1024xf32, #tpu.memory_space<hbm>>
        %dma_start3A_105 = tpu.memref_slice %arg3[%mul3A_104] : memref<24576xf32, #tpu.memory_space<hbm>> -> memref<1024xf32, #tpu.memory_space<hbm>>
        tpu.enqueue_dma source(%arg10 : memref<1024xf32, #tpu.memory_space<vmem>>) target(%dma_start3A_105 : memref<1024xf32, #tpu.memory_space<hbm>>) target_semaphore(%run_scoped3A : memref<!tpu.dma_semaphore, #tpu.memory_space<semaphore_mem>>)
        %dma_wait3A = tpu.memref_slice %arg3[%mul3A_104] : memref<24576xf32, #tpu.memory_space<hbm>> -> memref<1024xf32, #tpu.memory_space<hbm>>
        %dma_wait3A_106 = tpu.memref_slice %arg3[%mul3A_104] : memref<24576xf32, #tpu.memory_space<hbm>> -> memref<1024xf32, #tpu.memory_space<hbm>>
        tpu.wait_dma2 semaphore(%run_scoped3A : memref<!tpu.dma_semaphore, #tpu.memory_space<semaphore_mem>>) src(%arg10 : memref<1024xf32, #tpu.memory_space<vmem>>) dst(%dma_wait3A_106 : memref<1024xf32, #tpu.memory_space<hbm>>)
        tpu.yield
      }) : () -> ()
    } else {
    }
    return
  }
}

</mosaic_0001>

<sc_bundles>
// kernel: kernel.3.cloned.1.call-start
scs
__scs_entry_jumppad:
0x0: {  	(pc) =	sbr.rel $0x88, $3  }
0x1: {  	(tag) =	ssettag $0x0;
	lr =	simm.s32 $0x1  }
0x2: {  	[smem:$0x3FA0] =	sst lr;
	_ =	strace $0xD0000000  }
0x3: {  	_ = 	snop  }
0x4: {  	_ = 	snop  }
0x5: {  	_ = 	snop  }
0x6: {  	_ = 	snop  }
0x7: {  	_ = 	snop  }
__scs_overlays_trampoline_lowered:
0x8: {  	[smem:$0x3FAF] =	sst s0  }
0x9: {  	[smem:$0x3FB0] =	sst s1  }
0xa: {  	[smem:$0x3FB1] =	sst s2  }
0xb: {  	[smem:$0x3FB2] =	sst s3  }
0xc: {  	[smem:$0x3FB3] =	sst s4  }
0xd: {  	[smem:$0x3FB4] =	sst s5  }
0xe: {  	[smem:$0x3FB5] =	sst s6  }
0xf: {  	[smem:$0x3FB6] =	sst s7  }
0x10: {  	[smem:$0x3FB7] =	sst s8  }
0x11: {  	[smem:$0x3FB8] =	sst s9;
	s0 =	simm.s32 @!p0 $0x0  }
0x12: {  	s1 =	sld [smem:$0x3F9E];
	s0 =	simm.s32 @p0 $0x1  }
0x13: {  	[smem:$0x3FB9] =	sst s0;
	s0 =	simm.s32 @!p1 $0x0  }
0x14: {  	s2 =	sld [smem:$0x3F9D];
	s0 =	simm.s32 @p1 $0x1  }
0x15: {  	[smem:$0x3FBA] =	sst s0;
	s0 =	simm.s32 @!p2 $0x0  }
0x16: {  	s3 =	sld [smem:$0x3FDB];
	s0 =	simm.s32 @p2 $0x1  }
0x17: {  	s4 =	simm.s32 $0x1BF5;
	[smem:$0x3FBC] =	sst s0  }
0x18: {  	s0 =	sld [smem:$0x3F9F];
	_ =	swait.ge [sflag:s4], $0x0  }
0x19: {  	s7 =	sld [smem:$0x3FA0]  }
0x1a: {  	s8 =	sadd.s32 $0xFFFFE003, lr  }
0x1b: {  	s9 =	sadd.s32 $0xFFFFFEF7, lr;
	s5 =	simm.s32 $0xFFFFFFFF;
	p2 =	slt.u32 s8, $0xFFFFF086  }
0x1c: {  	p1 =	slt.u32 s9, $0xF7A;
	s5 =	simm.s32 @!p2 $0x0  }
0x1d: {  	s5 =	simm.s32 @p1 $0x1;
	p0 =	seq.s32 s7, s2  }
0x1e: {  	s7 =	smul.u32 @!p0 $0xF7A, s2;
	p2 =	seq.s32 @!p0 s5, $0x0  }
0x1f: {  	s9 =	smul.u32 $0xF7A, s1;
	s8 =	simm.s32 @!p0 $0x1BF5;
	p2 =	por !p2, p0  }
0x20: {  	[sflag:s8] =	ssyncset.s32 @!p0 $0xFFFFF086;
	s6 =	sadd.s32 @!p0 s3, s7;
	s7 =	simm.s32 @!p0 $0x108  }
0x21: {  	s3 =	sadd.s32 s3, s9;
	s6 =	sadd.s32 @!p0 $0x88, s6;
	s7 =	simm.s32 @p2 $0x1082  }
0x22: {  	[simem:s7], [sflag:s8] =	dma.local @!p0 [hbm:s6], $0xF7A  }
0x23: {  	s9 =	sor.u32 $0xD0000000, s2;
	s6 =	simm.s32 $0x108;
	_ =	swait.ge @!p0 [sflag:s8], $0x0  }
0x24: {  	s3 =	sadd.s32 $0x88, s3;
	s6 =	simm.s32 @!p1 $0x1082;
	[sflag:s4] =	ssyncset.s32 $0xFFFFF086  }
0x25: {  	[simem:s6], [sflag:s4] =	dma.local [hbm:s3], $0xF7A  }
0x26: {  	[smem:$0x3FA0] =	sst s1;
	(tag) =	ssettag s2;
	_ =	strace s9  }
0x27: {  	s1 =	sld [smem:$0x3FB0]  }
0x28: {  	s2 =	sld [smem:$0x3FB1]  }
0x29: {  	s4 =	sld [smem:$0x3FB3]  }
0x2a: {  	p0 =	seq.s32 s5, $0x0;
	s5 =	sld [smem:$0x3FB4]  }
0x2b: {  	s6 =	sld [smem:$0x3FB5]  }
0x2c: {  	s7 =	sld [smem:$0x3FB6]  }
0x2d: {  	s3 =	simm.s32 $0x108;
	s8 =	sld [smem:$0x3FB7]  }
0x2e: {  	s3 =	simm.s32 @!p0 $0x1082;
	s9 =	sld [smem:$0x3FB8]  }
0x2f: {  	lr =	sadd.s32 s0, s3;
	s0 =	sld [smem:$0x3FAF]  }
0x30: {  	s3 =	sld [smem:$0x3FB2]  }
0x31: {  	[smem:$0x3FBB] =	sst s10  }
0x32: {  	s10 =	sld [smem:$0x3FB9];
	_ =	sdelay $0x3  }
0x33: {  	p0 =	seq.s32 s10, $0x1;
	s10 =	sld [smem:$0x3FBB];
	_ =	sdelay $0x3  }
0x34: {  	[smem:$0x3FBB] =	sst s10  }
0x35: {  	s10 =	sld [smem:$0x3FBA];
	_ =	sdelay $0x3  }
0x36: {  	p1 =	seq.s32 s10, $0x1;
	s10 =	sld [smem:$0x3FBB];
	_ =	sdelay $0x3  }
0x37: {  	[smem:$0x3FBB] =	sst s10  }
0x38: {  	s10 =	sld [smem:$0x3FBC]  }
0x39: {  	_ = 	snop;
	(pc) =	sbr.ind lr, $3  }
0x3a: {  	_ = 	snop  }
0x3b: {  	_ = 	snop  }
0x3c: {  	p2 =	seq.s32 s10, $0x1;
	s10 =	sld [smem:$0x3FBB]  }
0x3d: {  	_ =	shalt  }
0x3e: {  	_ =	shalt  }
0x3f: {  	_ =	shalt  }
0x40: {  	_ =	shalt  }
0x41: {  	_ =	shalt  }
0x42: {  	_ =	shalt  }
0x43: {  	_ =	shalt  }
0x44: {  	_ =	shalt  }
0x45: {  	_ =	shalt  }
0x46: {  	_ =	shalt  }
0x47: {  	_ =	shalt  }
0x48: {  	_ =	shalt  }
0x49: {  	_ =	shalt  }
0x4a: {  	_ =	shalt  }
0x4b: {  	_ =	shalt  }
0x4c: {  	_ =	shalt  }
0x4d: {  	_ =	shalt  }
0x4e: {  	_ =	shalt  }
0x4f: {  	_ =	shalt  }
0x50: {  	_ =	shalt  }
0x51: {  	_ =	shalt  }
0x52: {  	_ =	shalt  }
0x53: {  	_ =	shalt  }
0x54: {  	_ =	shalt  }
0x55: {  	_ =	shalt  }
0x56: {  	_ =	shalt  }
0x57: {  	_ =	shalt  }
0x58: {  	_ =	shalt  }
0x59: {  	_ =	shalt  }
0x5a: {  	_ =	shalt  }
0x5b: {  	_ =	shalt  }
0x5c: {  	_ =	shalt  }
0x5d: {  	_ =	shalt  }
0x5e: {  	_ =	shalt  }
0x5f: {  	_ =	shalt  }
0x60: {  	_ =	shalt  }
0x61: {  	_ =	shalt  }
0x62: {  	_ =	shalt  }
0x63: {  	_ =	shalt  }
0x64: {  	_ =	shalt  }
0x65: {  	_ =	shalt  }
0x66: {  	_ =	shalt  }
0x67: {  	_ =	shalt  }
0x68: {  	_ =	shalt  }
0x69: {  	_ =	shalt  }
0x6a: {  	_ =	shalt  }
0x6b: {  	_ =	shalt  }
0x6c: {  	_ =	shalt  }
0x6d: {  	_ =	shalt  }
0x6e: {  	_ =	shalt  }
0x6f: {  	_ =	shalt  }
0x70: {  	_ =	shalt  }
0x71: {  	_ =	shalt  }
0x72: {  	_ =	shalt  }
0x73: {  	_ =	shalt  }
0x74: {  	_ =	shalt  }
0x75: {  	_ =	shalt  }
0x76: {  	_ =	shalt  }
0x77: {  	_ =	shalt  }
0x78: {  	_ =	shalt  }
0x79: {  	_ =	shalt  }
0x7a: {  	_ =	shalt  }
0x7b: {  	_ =	shalt  }
0x7c: {  	_ =	shalt  }
0x7d: {  	_ =	shalt  }
0x7e: {  	_ =	shalt  }
0x7f: {  	_ =	shalt  }
0x80: {  	_ =	shalt  }
0x81: {  	_ =	shalt  }
0x82: {  	_ =	shalt  }
0x83: {  	_ =	shalt  }
0x84: {  	_ =	shalt  }
0x85: {  	_ =	shalt  }
0x86: {  	_ =	shalt  }
0x87: {  	_ =	shalt  }
.Lfunc_end0:
.L_simem_size_0:
called_computation_lowered:
.L_overlay_start_0:
0x88: {  	s2 =	sld [smem:$0x3FD9]  }
0x89: {  	s3 =	sld [smem:$0x3FFE];
	_ =	sdelay $0x1  }
0x8a: {  	s1 =	srdreg.scid  }
0x8b: {  	s0 =	sand.u32 $0x1, s1  }
0x8c: {  	s17 =	sshll.u32 s0, $0xA;
	s2 =	sadd.s32 s3, s2  }
0x8d: {  	s2 =	sadd.s32 s2, s17  }
0x8e: {  	[smem:$0x3FC7] =	sst s2  }
0x8f: {  	_ = 	snop  }
0x90: {  	s2 =	sld [smem:$0x3FD0];
	(tm) =	ssettm $0x1  }
0x91: {  	s18 =	sld [smem:$0x3FFB];
	_ =	sdelay $0x3  }
0x92: {  	_ =	strace s18  }
0x93: {  	s3 =	sld [smem:$0x3FFC];
	_ =	sdelay $0x3  }
0x94: {  	_ =	strace s3  }
0x95: {  	s3 =	sld [smem:$0x3FFD];
	_ =	sdelay $0x3  }
0x96: {  	_ =	strace s3  }
0x97: {  	_ =	strace $0x8FFFFFFF  }
0x98: {  	s19 =	sld [smem:$0x3FDB];
	_ =	sdelay $0x1  }
0x99: {  	s4 =	simm.s32 $_scs_section_size  }
0x9a: {  	s5 =	simm.s32 $_size__tile_overlayer_lowered;
	s6 =	simm.s32 $_tile_overlayer_lowered  }
0x9b: {  	s22 =	simm.s32 $0x1BFF;
	s21 =	sshll.u32 s6, $0x1;
	s3 =	sadd.s32 s4, s19  }
0x9c: {  	s7 =	simm.s32 $0x0;
	s20 =	sshll.u32 s5, $0x1;
	s5 =	sadd.s32 s21, s3  }
0x9d: {  	[timem:s7], [sflag:s22] =	dma.local [hbm:s5], s20  }
0x9e: {  	_ =	swait.ge [sflag:s22], s20  }
0x9f: {  	s4 =	ssub.s32 $0x0, s20;
	[sflag:s22] =	ssyncset.done $0x0  }
0xa0: {  	[sflag:s22] =	ssyncadd.s32 s4;
	_ =	sdelay $0x1  }
0xa1: {  	s23 =	simm.s32 $0x1B8B  }
0xa2: {  	_ =	swait.ge [sflag:s23], $0x1  }
0xa3: {  	[sflag:s23] =	ssyncset.done $0x0  }
0xa4: {  	s25 =	simm.s32 $0x1B8E;
	s24 =	sld [smem:$0x3FFE];
	[sflag:s23] =	ssyncadd.s32 $0xFFFFFFFF  }
0xa5: {  	s26 =	simm.s32 $execute0_lowered;
	[smem:$0x3FD2] =	sst s25  }
0xa6: {  	s5 =	sshll.u32 s26, $0x1;
	_ =	strace $0x80000046;
	[dreg:$0x1] =	wrdreg $0xFFFFFFFF  }
0xa7: {  	s28 =	simm.s32 $_size_execute0_lowered;
	s3 =	sadd.s32 s3, s5;
	[dreg:$0x0] =	wrdreg $0x0  }
0xa8: {  	s5 =	sshll.u32 s28, $0x1;
	[dreg:$0x2] =	wrdreg s3  }
0xa9: {  	[dreg:$0x3] =	wrdreg s5  }
0xaa: {  	[dreg:$0x4] =	wrdreg $0xC0  }
0xab: {  	_ =	task [dreg:s7], $0x5FFFF  }
0xac: {  	[dreg:$0x1] =	wrdreg $0xFFFFFFFF  }
0xad: {  	[dreg:$0x0] =	wrdreg $0x60  }
0xae: {  	[dreg:$0x2] =	wrdreg s24  }
0xaf: {  	[dreg:$0x3] =	wrdreg s2  }
0xb0: {  	[dreg:$0x4] =	wrdreg $0xDE800  }
0xb1: {  	[dreg:$0x5] =	wrdreg $0xDEA00  }
0xb2: {  	[dreg:$0x6] =	wrdreg $0x9  }
0xb3: {  	_ =	task.clear_ibuf [dreg:s7], $0x7FFFF;
	_ =	strace $0x90000046  }
0xb4: {  	s29 =	simm.s32 $0x9;
	_ =	strace $0x80000048  }
0xb5: {  	_ =	swait.ge [sflag:s29], $0x1  }
0xb6: {  	[sflag:s29] =	ssyncadd.s32 $0xFFFFFFFF  }
0xb7: {  	_ =	strace $0x90000048  }
0xb8: {  	_ =	sfence  }
0xb9: {  	s30 =	sld [smem:$0x0];
	_ =	sdelay $0x2  }
0xba: {  	s31 =	sshll.u32 s1, $0xD;
	s1 =	sshrl.u32 s1, $0x2  }
0xbb: {  	s3 =	sand.u32 $0x4000, s31;
	s1 =	sadd.s32 s1, s30  }
0xbc: {  	s0 =	sor.u32 s3, s0;
	s1 =	sshll.u32 s1, $0x11  }
0xbd: {  	s0 =	sor.u32 s1, s0  }
0xbe: {  	s0 =	sadd.s32 $0x8F2B, s0  }
0xbf: {  	[sflag:s0] =	ssyncadd.remote.s32 $0x1  }
0xc0: {  	_ =	sfence.sel $0xFFFF  }
0xc1: {  	[dreg:$0x0] =	wrdreg $0xFFFFFFFF;
	(pc) =	sbr.abs _section_cstart, $3  }
0xc2: {  	[dreg:$0x1] =	wrdreg $0xFFFFFFFF  }
0xc3: {  	_ =	task.clear_ibuf [dreg:s7], $0x2FFFF;
	_ =	strace $0x9FFFFFFF  }
0xc4: {  	(tm) =	ssettm $0x7FFFFFFF  }
0xc5: {  	_ =	shalt  }
tec
execute0_lowered:
.L_overlay_start_1:
0x0: {  	(tag) =	ssettag $0x1  }
0x1: {  	s5 =	rddreg [dreg:$0x0]  }
0x2: {  	s11 =	rddreg [dreg:$0x1]  }
0x3: {  	s1 =	srdreg.scid;
	s2 =	rddreg [dreg:$0x2]  }
0x4: {  	s0 =	stileid.u32;
	s3 =	rddreg [dreg:$0x3]  }
0x5: {  	s4 =	simm.s32 $0x0;
	s16 =	simm.s32 $0x4000;
	s17 =	simm.s32 $0x8000  }
0x6: {  	s18 =	simm.s32 $0xD000;
	s19 =	simm.s32 $0xD400;
	s20 =	simm.s32 $0xD800  }
0x7: {  	s21 =	simm.s32 $0xDC00;
	s6 =	sand.u32 $0x1, s1;
	s1 =	rddreg [dreg:$0x4]  }
0x8: {  	s22 =	simm.s32 $0xDC80;
	s10 =	sshrl.u32 s0, $0x2;
	[smem:$0x7FF] =	sst s4  }
0x9: {  	s23 =	sand.u32 $0x3, s0;
	s7 =	sshll.u32 s6, $0x2;
	s6 =	ssub.s32 $0x2, s6  }
0xa: {  	_ =	strace $0x80000047;
	s8 =	sshll.u32 s23, $0xC;
	p0 =	sne.s32 s23, $0x0  }
0xb: {  	s23 =	simm.s32 $0xDD80;
	s9 =	sor.u32 s10, s7;
	s31 =	sshrl.u32 s6, $0x1  }
0xc: {  	s10 =	sshll.u32 s10, $0x6;
	s25 =	sor.u32 $0x8000, s8;
	s24 =	sor.u32 $0x4000, s8  }
0xd: {  	s7 =	sshll.u32 s9, $0xB;
	s14 =	ssub.s32 s6, s31;
	s12 =	smul.u32 $0xC00, s9  }
0xe: {  	s13 =	smul.u32 $0x180, s9;
	s9 =	sshll.u32 s0, $0x4;
	v5 =	vmov s24;
	s24 =	simm.s32 $0xDE00  }
0xf: {  	v7 =	vmov s25;
	s25 =	simm.s32 $0x0;
	s7 =	sadd.s32 s7, s5;
	s14 =	smax.u32 s14, $0x1  }
0x10: {  	s5 =	sadd.s32 $0x400, s7;
	s6 =	sadd.s32 $0x4400, s7;
	s12 =	sshrl.u32 s12, $0x3  }
0x11: {  	v0 =	vimm.f32 $1.000000000e+10;
	v1 =	vlaneseq.u32;
	v3 =	vimm.f32 $-1.000000000e+00;
	s7 =	sadd.s32 $0x8400, s7;
	s15 =	sadd.s32 s11, s12;
	s11 =	sadd.s32 s11, s13  }
0x12: {  	v4 =	vimm.s32 $0x0;
	v2 =	vor.u32 $0x80000000, v1;
	v6 =	vmov s8;
	s12 =	sadd.s32 $0x80, s15;
	s13 =	sadd.s32 $0x100, s15;
	s15 =	simm.s32 $0x1  }
.LBB2_1:
0x13: {  	[tilespmem:s4], [sflag:$0x1] =	stream.linear.gather [hbm4b:s5+s4], $0x4000, $0x38;
	[tilespmem:$0xDEC0] =	vst v63  }
0x14: {  	_ =	swait.ge [sflag:s15], $0x4000  }
0x15: {  	[sflag:s15] =	ssyncset.done $0x0  }
0x16: {  	[sflag:s15] =	ssyncadd.s32 $0xFFFFC000  }
0x17: {  	[tilespmem:s16], [sflag:$0x1] =	stream.linear.gather [hbm4b:s6+s4], $0x4000, $0x38;
	[tilespmem:$0xDEC0] =	vst v63  }
0x18: {  	_ =	swait.ge [sflag:s15], $0x4000  }
0x19: {  	[sflag:s15] =	ssyncset.done $0x0  }
0x1a: {  	[sflag:s15] =	ssyncadd.s32 $0xFFFFC000  }
0x1b: {  	[tilespmem:s17], [sflag:$0x1] =	stream.linear.gather [hbm4b:s7+s4], $0x4000, $0x38;
	[tilespmem:$0xDEC0] =	vst v63  }
0x1c: {  	_ =	swait.ge [sflag:s15], $0x4000  }
0x1d: {  	[sflag:s15] =	ssyncset.done $0x0  }
0x1e: {  	s26 =	simm.s32 $0x40;
	s28 =	simm.s32 $0x0;
	[sflag:s15] =	ssyncadd.s32 $0xFFFFC000  }
.LBB2_2:
0x1f: {  	p1 =	sne.s32 s26, $0x3FC0;
	[tilespmem:s28+$0xC000] =	vst v0;
	s28 =	smov.u32 s26;
	s26 =	sadd.s32 $0x40, s26  }
.Ltmp0:
0x20: {  	(pc) =	sbr.rel @p1 .LBB2_2-.Ltmp0, $2  }
0x21: {  	_ =	sdelay $0x2  }
0x22: {  	s28 =	sshra.s32 s28, $0x2  }
0x23: {  	[tilespmem:s28+$0xC000] =	vst v0  }
0x24: {  	v8 =	vld [tilespmem:$0xC000];
	_ =	sdelay $0x4  }
0x25: {  	(xrf0) =	vmax.scan.msk.f32 $0xffff, v8;
	_ =	sdelay $0x5  }
0x26: {  	v9, _, _ =	vpop (xrf0)  }
0x27: {  	v9 =	vbroadcast v9, $0xF;
	_ =	sdelay $0x1  }
0x28: {  	vm0 =	veq.f32 v8, v9  }
0x29: {  	v8 =	vnsel vm0, $0x80004000, v2  }
0x2a: {  	(xrf0) =	vmin.scan.msk.u32 $0xffff, v8;
	_ =	sdelay $0x5  }
0x2b: {  	v8, _, _ =	vpop (xrf0)  }
0x2c: {  	(v2sf) =	vpush v8, $0xF;
	_ =	sdelay $0xe  }
0x2d: {  	s26 =	spop (v2sf)  }
0x2e: {  	s26 =	sxor.u32 $0x80000000, s26  }
0x2f: {  	v8 =	vmov s26;
	_ =	sdelay $0x3  }
0x30: {  	s26 =	simm.s32 $0x0  }
0x31: {  	v63 =	vld.idx.msk [tilespmem:v8+s26+$0x0], $0xffff;
	_ =	sdelay $0x4  }
0x32: {  	[tilespmem:$0xDD00] =	vst v63  }
0x33: {  	[tilespmem:v8+s18+$0x0] =	vst.idx.msk $0x1, v63  }
0x34: {  	v9 =	vld.idx.msk [tilespmem:v8+s16+$0x0], $0xffff;
	_ =	sdelay $0x4  }
0x35: {  	[tilespmem:$0xDD10] =	vst v9  }
0x36: {  	[tilespmem:v8+s19+$0x0] =	vst.idx.msk $0x1, v9  }
0x37: {  	v9 =	vld.idx.msk [tilespmem:v8+s17+$0x0], $0xffff;
	_ =	sdelay $0x4  }
0x38: {  	[tilespmem:$0xDD20] =	vst v9  }
0x39: {  	[tilespmem:v8+s20+$0x0] =	vst.idx.msk $0x1, v9  }
.LBB2_4:
0x3a: {  	_ =	sdelay $0x1  }
0x3b: {  	v8 =	vld [tilespmem:$0xDD00];
	[tilespmem:$0xDC00] =	vst v3  }
0x3c: {  	v9 =	vld [tilespmem:$0xDD10];
	[tilespmem:$0xDC80] =	vst v4;
	s28 =	simm.s32 $0x0  }
0x3d: {  	v11 =	vld.idx.msk [tilespmem:v6+s28+$0x0 ss:$0x1], $0xffff  }
0x3e: {  	v12 =	vld.idx.msk [tilespmem:v5+s28+$0x0 ss:$0x1], $0xffff  }
0x3f: {  	v10 =	vld [tilespmem:$0xDD20]  }
0x40: {  	v13 =	vld.idx.msk [tilespmem:v7+s28+$0x0 ss:$0x1], $0xffff;
	_ =	sdelay $0x2  }
0x41: {  	v11 =	vsub.f32 v11, v8;
	v12 =	vsub.f32 v12, v9;
	_ =	sdelay $0x1  }
0x42: {  	v13 =	vsub.f32 v13, v10;
	v11 =	vmul.f32 v11, v11;
	v12 =	vmul.f32 v12, v12  }
0x43: {  	v14 =	vld [tilespmem:s28+$0xC000]  }
0x44: {  	v60 =	vmul.f32 v13, v13;
	v11 =	vadd.f32 v12, v11;
	_ =	sdelay $0x1  }
0x45: {  	v11 =	vadd.f32 v60, v11;
	_ =	sdelay $0x1  }
0x46: {  	v11 =	vmin.f32 v14, v11  }
0x47: {  	[tilespmem:s28+$0xC000] =	vst v11  }
0x48: {  	v61 =	vld [tilespmem:$0xDC00]  }
0x49: {  	v62 =	vld [tilespmem:$0xDC80];
	_ =	sdelay $0x3  }
0x4a: {  	v63 =	vor.u32 s8, v1;
	vm0 =	vgt.f32 v11, v61  }
0x4b: {  	v13 =	vsel vm0, v63, v62  }
0x4c: {  	v11 =	vsel vm0, v11, v61;
	[tilespmem:$0xDC80] =	vst v13  }
0x4d: {  	s30 =	simm.s32 $0x10;
	[tilespmem:$0xDC00] =	vst v11  }
0x4e: {  	s29 =	simm.s32 $0x80;
	s28 =	smov.u32 s8;
	v11 =	vld.idx.msk [tilespmem:v6+s30+$0x0 ss:$0x1], $0xffff  }
.LBB2_5:
0x4f: {  	p1 =	sne.s32 s29, $0x3FC0;
	v12 =	vld.idx.msk [tilespmem:v5+s30+$0x0 ss:$0x1], $0xffff  }
0x50: {  	v13 =	vld.idx.msk [tilespmem:v7+s30+$0x0 ss:$0x1], $0xffff  }
0x51: {  	v14 =	vld [tilespmem:s30+$0xC000];
	_ =	sdelay $0x3  }
0x52: {  	v11 =	vsub.f32 v11, v8;
	v12 =	vsub.f32 v12, v9;
	_ =	sdelay $0x1  }
0x53: {  	v13 =	vsub.f32 v13, v10;
	v11 =	vmul.f32 v11, v11;
	v12 =	vmul.f32 v12, v12;
	_ =	sdelay $0x1  }
0x54: {  	v11 =	vadd.f32 v12, v11;
	v12 =	vmul.f32 v13, v13;
	_ =	sdelay $0x1  }
0x55: {  	v11 =	vadd.f32 v12, v11;
	_ =	sdelay $0x1  }
0x56: {  	v11 =	vmin.f32 v14, v11  }
0x57: {  	[tilespmem:s30+$0xC000] =	vst v11  }
0x58: {  	v12 =	vld [tilespmem:$0xDC00]  }
0x59: {  	v13 =	vld [tilespmem:$0xDC80];
	_ =	sdelay $0x2  }
0x5a: {  	s28 =	sadd.s32 $0x10, s28  }
.Ltmp1:
0x5b: {  	v14 =	vor.u32 s28, v1;
	vm0 =	vgt.f32 v11, v12;
	(pc) =	sbr.rel @p1 .LBB2_5-.Ltmp1, $4  }
0x5c: {  	v11 =	vsel vm0, v11, v12;
	v12 =	vsel vm0, v14, v13  }
0x5d: {  	[tilespmem:$0xDC80] =	vst v12  }
0x5e: {  	s30 =	sshra.s32 s29, $0x2;
	[tilespmem:$0xDC00] =	vst v11  }
0x5f: {  	s29 =	sadd.s32 $0x40, s29;
	v11 =	vld.idx.msk [tilespmem:v6+s30+$0x0 ss:$0x1], $0xffff  }
0x60: {  	_ =	sdelay $0x3  }
0x61: {  	v12 =	vld.idx.msk [tilespmem:v5+s30+$0x0 ss:$0x1], $0xffff;
	_ =	sdelay $0x1  }
0x62: {  	v13 =	vld.idx.msk [tilespmem:v7+s30+$0x0 ss:$0x1], $0xffff;
	_ =	sdelay $0x2  }
0x63: {  	v8 =	vsub.f32 v11, v8;
	v9 =	vsub.f32 v12, v9;
	_ =	sdelay $0x1  }
0x64: {  	v10 =	vsub.f32 v13, v10;
	v8 =	vmul.f32 v8, v8;
	v9 =	vmul.f32 v9, v9  }
0x65: {  	v50 =	vld [tilespmem:s30+$0xC000]  }
0x66: {  	v51 =	vmul.f32 v10, v10;
	v8 =	vadd.f32 v9, v8;
	_ =	sdelay $0x1  }
0x67: {  	v8 =	vadd.f32 v51, v8;
	_ =	sdelay $0x1  }
0x68: {  	v8 =	vmin.f32 v50, v8  }
0x69: {  	[tilespmem:s30+$0xC000] =	vst v8  }
0x6a: {  	v52 =	vld [tilespmem:$0xDC00]  }
0x6b: {  	v53 =	vld [tilespmem:$0xDC80];
	_ =	sdelay $0x2  }
0x6c: {  	s28 =	sadd.s32 $0x10, s28  }
0x6d: {  	v54 =	vor.u32 s28, v1;
	s30 =	sshll.u32 s26, $0x8;
	vm0 =	vgt.f32 v8, v52  }
0x6e: {  	s28 =	sand.u32 $0x100, s30;
	v10 =	vsel vm0, v54, v53  }
0x6f: {  	s29 =	sor.u32 s9, s28;
	v8 =	vsel vm0, v8, v52;
	[tilespmem:$0xDC80] =	vst v10  }
0x70: {  	s31 =	sadd.s32 s29, s2;
	[tilespmem:$0xDC00] =	vst v8  }
0x71: {  	[spmem:s31] =	stream.linear.scatter [tilespmem:s21], [sflag:$0x1], $0x10, $0x38;
	[tilespmem:$0xDEC0] =	vst v63  }
0x72: {  	_ =	swait.ge [sflag:s15], $0x10  }
0x73: {  	[sflag:s15] =	ssyncset.done $0x0  }
0x74: {  	s29 =	sadd.s32 s29, s3;
	[sflag:s15] =	ssyncadd.s32 $0xFFFFFFF0  }
0x75: {  	[spmem:s29] =	stream.linear.scatter [tilespmem:s22], [sflag:$0x1], $0x10, $0x38;
	[tilespmem:$0xDEC0] =	vst v63  }
0x76: {  	_ =	swait.ge [sflag:s15], $0x10  }
0x77: {  	[sflag:s15] =	ssyncset.done $0x0  }
0x78: {  	s28 =	sor.u32 s10, s28;
	[sflag:s15] =	ssyncadd.s32 $0xFFFFFFF0  }
0x79: {  	s30 =	sadd.s32 s28, s2;
	[bflag:$0x0] =	sbarrier.arrive $0xFFFF  }
0x7a: {  	[tilespmem:s23], [sflag:$0x1] =	stream.linear.gather [spmem:s30], $0x40, $0x38;
	[tilespmem:$0xDEC0] =	vst v63  }
0x7b: {  	_ =	swait.ge [sflag:s15], $0x40  }
0x7c: {  	[sflag:s15] =	ssyncset.done $0x0  }
0x7d: {  	s28 =	sadd.s32 s28, s3;
	[sflag:s15] =	ssyncadd.s32 $0xFFFFFFC0  }
0x7e: {  	[tilespmem:s24], [sflag:$0x1] =	stream.linear.gather [spmem:s28], $0x40, $0x38;
	[tilespmem:$0xDEC0] =	vst v63  }
0x7f: {  	_ =	swait.ge [sflag:s15], $0x40  }
0x80: {  	[sflag:s15] =	ssyncset.done $0x0  }
0x81: {  	[sflag:s15] =	ssyncadd.s32 $0xFFFFFFC0  }
0x82: {  	v8 =	vld [tilespmem:$0xDD80]  }
0x83: {  	v55 =	vld [tilespmem:$0xDE00]  }
0x84: {  	v56 =	vld [tilespmem:$0xDD90]  }
0x85: {  	v57 =	vld [tilespmem:$0xDE10];
	_ =	sdelay $0x2  }
0x86: {  	v58 =	vld [tilespmem:$0xDDA0]  }
0x87: {  	v59 =	vld [tilespmem:$0xDE20]  }
0x88: {  	vm8 =	veq.f32 v56, v8;
	vm1 =	vlt.s32 v57, v55  }
0x89: {  	vm9 =	vgt.f32 v56, v8;
	vm0 =	vmand vm8, vm1  }
0x8a: {  	v14 =	vld [tilespmem:$0xDDB0];
	vm0 =	vmor vm9, vm0  }
0x8b: {  	v60 =	vld [tilespmem:$0xDE30];
	v8 =	vsel vm0, v56, v8;
	v9 =	vsel vm0, v57, v55  }
0x8c: {  	vm10 =	veq.f32 v58, v8;
	vm11 =	vlt.s32 v59, v9  }
0x8d: {  	vm12 =	vgt.f32 v58, v8;
	vm0 =	vmand vm10, vm11  }
0x8e: {  	vm0 =	vmor vm12, vm0  }
0x8f: {  	v8 =	vsel vm0, v58, v8;
	v9 =	vsel vm0, v59, v9  }
0x90: {  	vm13 =	veq.f32 v14, v8;
	vm14 =	vlt.s32 v60, v9  }
0x91: {  	vm2 =	vgt.f32 v14, v8;
	vm0 =	vmand vm13, vm14  }
0x92: {  	vm0 =	vmor vm2, vm0  }
0x93: {  	v8 =	vsel vm0, v14, v8  }
0x94: {  	(xrf0) =	vmax.scan.msk.f32 $0xffff, v8;
	_ =	sdelay $0x5  }
0x95: {  	v61, _, _ =	vpop (xrf0)  }
0x96: {  	v11 =	vbroadcast v61, $0xF  }
0x97: {  	v9 =	vsel vm0, v60, v9  }
0x98: {  	vm15 =	veq.f32 v8, v11;
	v8 =	vxor.u32 $0x80000000, v9  }
0x99: {  	v8 =	vnsel vm15, $0x80004000, v8  }
0x9a: {  	(xrf0) =	vmin.scan.msk.u32 $0xffff, v8;
	_ =	sdelay $0x5  }
0x9b: {  	v8, _, _ =	vpop (xrf0)  }
0x9c: {  	(v2sf) =	vpush v8, $0xF;
	_ =	sdelay $0xe  }
0x9d: {  	s31 =	spop (v2sf)  }
0x9e: {  	s28 =	sxor.u32 $0x80000000, s31  }
0x9f: {  	v8 =	vmov s28;
	_ =	sdelay $0x4  }
0xa0: {  	s26 =	sadd.s32 $0x1, s26;
	v62 =	vld.idx.msk [tilespmem:v8+s4+$0x0], $0xffff  }
0xa1: {  	v63 =	vmov s26;
	_ =	sdelay $0x3  }
0xa2: {  	[tilespmem:$0xDD00] =	vst v62  }
0xa3: {  	[tilespmem:v63+s18+$0x0] =	vst.idx.msk $0x1, v62  }
0xa4: {  	v9 =	vld.idx.msk [tilespmem:v8+s16+$0x0], $0xffff;
	_ =	sdelay $0x4  }
0xa5: {  	[tilespmem:$0xDD10] =	vst v9  }
0xa6: {  	[tilespmem:v63+s19+$0x0] =	vst.idx.msk $0x1, v9  }
0xa7: {  	v8 =	vld.idx.msk [tilespmem:v8+s17+$0x0], $0xffff  }
0xa8: {  	p1 =	sne.s32 s26, $0x3FF  }
.Ltmp2:
0xa9: {  	_ = 	snop;
	(pc) =	sbr.rel @p1 .LBB2_4-.Ltmp2, $3  }
0xaa: {  	_ =	sdelay $0x1  }
0xab: {  	[tilespmem:$0xDD20] =	vst v8  }
0xac: {  	[tilespmem:v63+s20+$0x0] =	vst.idx.msk $0x1, v8  }
0xad: {  	s26 =	simm.s32 @!p0 $0x0;
	s28 =	simm.s32 @!p0 $0xD000  }
0xae: {  	[hbm4b:s11+s26] =	stream.linear.scatter @!p0 [tilespmem:s28], [sflag:$0x1], $0x400, $0x38;
	[tilespmem:$0xDEC0] =	vst v63  }
0xaf: {  	s28 =	simm.s32 @!p0 $0x1  }
0xb0: {  	_ =	swait.ge @!p0 [sflag:s28], $0x400  }
0xb1: {  	[sflag:s28] =	ssyncset.done @!p0 $0x0  }
0xb2: {  	s29 =	simm.s32 @!p0 $0xD400;
	[sflag:s28] =	ssyncadd.s32 @!p0 $0xFFFFFC00  }
0xb3: {  	[hbm4b:s12+s26] =	stream.linear.scatter @!p0 [tilespmem:s29], [sflag:$0x1], $0x400, $0x38;
	[tilespmem:$0xDEC0] =	vst v63  }
0xb4: {  	s25 =	sadd.s32 $0x1, s25;
	_ =	swait.ge @!p0 [sflag:s28], $0x400  }
0xb5: {  	p1 =	sne.s32 s25, s14;
	[sflag:s28] =	ssyncset.done @!p0 $0x0  }
.Ltmp3:
0xb6: {  	s29 =	simm.s32 @!p0 $0xD800;
	[sflag:s28] =	ssyncadd.s32 @!p0 $0xFFFFFC00;
	(pc) =	sbr.rel @p1 .LBB2_1-.Ltmp3, $4  }
0xb7: {  	[hbm4b:s13+s26] =	stream.linear.scatter @!p0 [tilespmem:s29], [sflag:$0x1], $0x400, $0x38;
	[tilespmem:$0xDEC0] =	vst v63  }
0xb8: {  	_ =	swait.ge @!p0 [sflag:s28], $0x400  }
0xb9: {  	[sflag:s28] =	ssyncset.done @!p0 $0x0  }
0xba: {  	[sflag:s28] =	ssyncadd.s32 @!p0 $0xFFFFFC00  }
0xbb: {  	_ =	sfence.sel $0x180000  }
0xbc: {  	[bflag:$0x0] =	sbarrier.arrive $0xFFFF  }
0xbd: {  	p0 =	sne.s32 s0, $0x0;
	_ =	strace $0x90000047  }
0xbe: {  	s0 =	sadd.s32 @!p0 $0x100000, s1;
	[bflag:$0x2] =	sbarrier.arrive $0xFFFF  }
0xbf: {  	[sflag:s0] =	ssyncadd.tile.s32 @!p0 $0x1;
	_ =	shalt  }
.Lfunc_end2:
_tile_overlayer_lowered:
.L_overlay_start_2:
0xc0: {  	(tag) =	ssettag $0x2  }
0xc1: {  	s0 =	rddreg [dreg:$0x0];
	s2 =	stileid.u32  }
0xc2: {  	s1 =	rddreg [dreg:$0x1];
	p0 =	sne.s32 s2, $0x0  }
0xc3: {  	s3 =	rddreg [dreg:$0x2];
	[bflag:$0x3] =	sbarrier.arrive $0xFFFF;
	s2 =	simm.s32 @!p0 $0x1C01  }
0xc4: {  	[timem:s3], [sflag:s2] =	dma.local @!p0 [hbm:s0], s1  }
0xc5: {  	s0 =	simm.s32 @!p0 $0x1  }
0xc6: {  	_ =	swait.ge @!p0 [sflag:s0], s1  }
0xc7: {  	s1 =	ssub.s32 @!p0 $0x0, s1;
	[sflag:s0] =	ssyncset.done @!p0 $0x0  }
0xc8: {  	[sflag:s0] =	ssyncadd.s32 @!p0 s1  }
0xc9: {  	[bflag:$0x3] =	sbarrier.arrive $0xFFFF  }
0xca: {  	_ =	shalt  }

</sc_bundles>
